<compile_context>
chip_gen: v7x
topology: tpu7x:2x2x1
jax: 0.10.2.dev20260603
libtpu: 0.0.44.dev20260713+nightly
codegen_flags: <defaults>
</compile_context>

<pallas_src>
import functools

import jax
import jax.numpy as jnp
from jax import lax
from jax.experimental import pallas as pl
from jax.experimental.pallas import tpu as pltpu
from jax.experimental.pallas import tpu_sc as plsc

_BC = 4096
_HS = (_BC // 2).bit_length() - 1


def _relayout_body(x_ref, o_ref):
    xt = x_ref[...].T
    o_ref[...] = jnp.concatenate([xt[: _BC // 2], xt[_BC // 2 :]], axis=1)


@functools.cache
def _make_relayout(V, D):
    nblk = pl.cdiv(V, _BC)
    return pl.pallas_call(
        _relayout_body,
        grid=(nblk,),
        in_specs=[pl.BlockSpec((D, _BC), lambda c: (0, c))],
        out_specs=pl.BlockSpec((_BC // 2, 2 * D), lambda c: (c, 0)),
        out_shape=jax.ShapeDtypeStruct((nblk * _BC // 2, 2 * D), jnp.float32),
    )


def _outx_body(x_ref, o_ref):
    x = x_ref[...][0]
    d = o_ref.shape[1]
    o_ref[...] = x[:, :d].T[None]


@functools.cache
def _make_outx(H, B, D, BB=8192):
    return pl.pallas_call(
        _outx_body,
        grid=(H, B // BB),
        in_specs=[pl.BlockSpec((1, BB, 2 * D), lambda h, b: (h, b, 0))],
        out_specs=pl.BlockSpec((1, D, BB), lambda h, b: (h, 0, b)),
        out_shape=jax.ShapeDtypeStruct((H, D, B), jnp.float32),
    )


@functools.cache
def _make_gather(B, V, D):
    info = plsc.get_sparse_core_info()
    NC, NS = info.num_cores, info.num_subcores
    NW = NC * NS
    assert B % NW == 0
    b_per_w = B // NW
    C = 512
    NBUF = 2
    assert b_per_w % (C * NBUF) == 0
    n_chunks = b_per_w // C
    n_groups = n_chunks // NBUF

    mesh = plsc.VectorSubcoreMesh(core_axis_name="c", subcore_axis_name="s")

    @functools.partial(
        pl.kernel,
        mesh=mesh,
        compiler_params=pltpu.CompilerParams(use_tc_tiling_on_sc=False),
        out_type=jax.ShapeDtypeStruct((B, 2 * D), jnp.float32),
        scratch_types=[
            pltpu.VMEM((b_per_w,), jnp.int32),
            pltpu.VMEM((NBUF, C, D), jnp.float32),
            [pltpu.SemaphoreType.DMA] * NBUF,
            [pltpu.SemaphoreType.DMA] * NBUF,
        ],
    )
    def gather_kernel(idx_hbm, table_hbm, out_hbm, idx_v, rows_v, gsems, osems):
        wid = lax.axis_index("s") * NC + lax.axis_index("c")
        base = wid * b_per_w

        pltpu.sync_copy(idx_hbm.at[pl.ds(base, b_per_w)], idx_v)

        def gather_dma(i, b):
            return pltpu.make_async_copy(
                table_hbm.at[idx_v.at[pl.ds(i * C, C)]], rows_v.at[b], gsems[b]
            )

        def store_dma(i, b):
            return pltpu.make_async_copy(
                rows_v.at[b],
                out_hbm.at[pl.ds(base + i * C, C), pl.ds(0, D)],
                osems[b],
            )

        for b in range(NBUF):
            gather_dma(b, b).start()

        def group(g, carry):
            for b in range(NBUF):
                i = g * NBUF + b
                gather_dma(i, b).wait()
                store_dma(i, b).start()
            for b in range(NBUF):
                i = g * NBUF + b
                store_dma(i, b).wait()
                gather_dma(i + NBUF, b).start()
            return carry

        lax.fori_loop(0, n_groups - 1, group, 0)

        for b in range(NBUF):
            i = (n_groups - 1) * NBUF + b
            gather_dma(i, b).wait()
            store_dma(i, b).start()
        for b in range(NBUF):
            i = (n_groups - 1) * NBUF + b
            store_dma(i, b).wait()

    return gather_kernel


def kernel(goal_encoding, embed_table):
    batch, hist = goal_encoding.shape
    v, d = embed_table.shape
    i = goal_encoding.T.astype(jnp.int32)
    idx = (i & ~(_BC - 1)) + ((i & (_BC // 2 - 1)) << 1) + ((i >> _HS) & 1)
    idx = idx.reshape(-1)
    lin = _make_relayout(v, d)(embed_table.T)
    v2 = 2 * lin.shape[0]
    table_lin = lin.reshape(v2, d)
    g = _make_gather(batch * hist, v2, d)(idx, table_lin)
    g3 = g.reshape(hist, batch, 2 * d)
    z = _make_outx(hist, batch, d)(g3)
    return z.transpose(2, 0, 1)

# --- scband reference (transcript-rebuilt; emitter-appended) ---
"""Pipeline reference for scband-goal-encoder-1675037245470 (READ-ONLY COPY).

The authoritative reference and input builder live on the scoring server;
editing this copy changes nothing except your own understanding.
"""

import jax, jax.numpy as jnp
import numpy as np

NUM_GOALS = 1000000
EMBED_SIZE = 64
BATCH = 16384
HIST = 50

def setup_inputs(seed: int = 0) -> dict:
    key = jax.random.key(seed)
    k_idx, k_tab = jax.random.split(key)
    goal_encoding = jax.random.randint(k_idx, (BATCH, HIST), 0, NUM_GOALS, dtype=jnp.int64 if jax.config.jax_enable_x64 else jnp.int32)
    embed_table = jax.random.normal(k_tab, (NUM_GOALS, EMBED_SIZE), dtype=jnp.float32)
    return {"goal_encoding": goal_encoding, "embed_table": embed_table}

def reference(goal_encoding, embed_table):
    # nn.Embedding forward: gather rows of the table by index
    embedding = jnp.take(embed_table, goal_encoding, axis=0)
    return embedding

if __name__ == "__main__":
    import jax
    _d = setup_inputs()
    print(jax.jit(kernel)(*tuple(_d.values())))

</pallas_src>

<mosaic_0001>
#map = affine_map<(d0, d1) -> (0)>
#map1 = affine_map<(d0, d1) -> (0, 0)>
module attributes {stable_mosaic.version = 14 : i64} {
  func.func @gather_kernel(%arg0: i32, %arg1: i32, %arg2: memref<819200xi32, #tpu.memory_space<hbm>>, %arg3: memref<1003520x64xf32, #tpu.memory_space<hbm>>, %arg4: memref<819200x128xf32, #tpu.memory_space<hbm>>, %arg5: memref<25600xi32, #tpu.memory_space<vmem>>, %arg6: memref<2x512x64xf32, #tpu.memory_space<vmem>>, %arg7: memref<!tpu.dma_semaphore, #tpu.memory_space<semaphore_mem>>, %arg8: memref<!tpu.dma_semaphore, #tpu.memory_space<semaphore_mem>>, %arg9: memref<!tpu.dma_semaphore, #tpu.memory_space<semaphore_mem>>, %arg10: memref<!tpu.dma_semaphore, #tpu.memory_space<semaphore_mem>>) attributes {dimension_semantics = [#tpu.dimension_semantics<core_parallel>, #tpu.dimension_semantics<subcore_parallel>], iteration_bounds = array<i64: 2, 16>, scalar_prefetch = 0 : i64, scratch_operands = 6 : i64, tpu.core_type = #tpu.core_type<sc_vector_subcore>, window_params = [{transform_indices = #map}, {transform_indices = #map1}, {transform_indices = #map1}]} {
    %mul3A = arith.constant 2 : i32
    %mul3A_0 = arith.muli %arg1, %mul3A : i32
    %add3A = arith.addi %mul3A_0, %arg0 : i32
    %mul3A_1 = arith.constant 25600 : i32
    %mul3A_2 = arith.muli %add3A, %mul3A_1 : i32
    "tpu.region"() ({
      %run_scoped3A = tpu.sem_alloc : memref<!tpu.dma_semaphore, #tpu.memory_space<semaphore_mem>>
      %dma_start3A_106 = tpu.memref_slice %arg2[%mul3A_2] : memref<819200xi32, #tpu.memory_space<hbm>> -> memref<25600xi32, #tpu.memory_space<hbm>>
      %dma_start3A_107 = tpu.memref_slice %arg2[%mul3A_2] : memref<819200xi32, #tpu.memory_space<hbm>> -> memref<25600xi32, #tpu.memory_space<hbm>>
      tpu.enqueue_dma source(%dma_start3A_107 : memref<25600xi32, #tpu.memory_space<hbm>>) target(%arg5 : memref<25600xi32, #tpu.memory_space<vmem>>) target_semaphore(%run_scoped3A : memref<!tpu.dma_semaphore, #tpu.memory_space<semaphore_mem>>)
      %dma_wait3A_108 = tpu.memref_slice %arg2[%mul3A_2] : memref<819200xi32, #tpu.memory_space<hbm>> -> memref<25600xi32, #tpu.memory_space<hbm>>
      %dma_wait3A_109 = tpu.memref_slice %arg2[%mul3A_2] : memref<819200xi32, #tpu.memory_space<hbm>> -> memref<25600xi32, #tpu.memory_space<hbm>>
      tpu.wait_dma2 semaphore(%run_scoped3A : memref<!tpu.dma_semaphore, #tpu.memory_space<semaphore_mem>>) src(%dma_wait3A_109 : memref<25600xi32, #tpu.memory_space<hbm>>) dst(%arg5 : memref<25600xi32, #tpu.memory_space<vmem>>)
      tpu.yield
    }) : () -> ()
    %dma_start3A = arith.constant 0 : i32
    %dma_start3A_3 = arith.constant 0 : i32
    %dma_start3A_4 = arith.constant 0 : i32
    %dma_start3A_5 = tpu.memref_slice %arg6[%dma_start3A, %dma_start3A_3, %dma_start3A_4] : memref<2x512x64xf32, #tpu.memory_space<vmem>> -> memref<1x512x64xf32, #tpu.memory_space<vmem>>
    %dma_start3A_6 = tpu.memref_squeeze %dma_start3A_5 : memref<1x512x64xf32, #tpu.memory_space<vmem>> -> memref<512x64xf32, #tpu.memory_space<vmem>>
    %dma_start3A_7 = arith.constant 0 : i32
    %dma_start3A_8 = tpu.memref_slice %arg5[%dma_start3A_7] : memref<25600xi32, #tpu.memory_space<vmem>> -> memref<512xi32, #tpu.memory_space<vmem>>
    %dma_start3A_9 = arith.constant 0 : i32
    %dma_start3A_10 = arith.constant 0 : i32
    %dma_start3A_11 = tpu.memref_slice %arg3[%dma_start3A_9, %dma_start3A_10] : memref<1003520x64xf32, #tpu.memory_space<hbm>> -> memref<1003520x64xf32, #tpu.memory_space<hbm>>
    tpu.enqueue_indirect_dma source(%dma_start3A_11 : memref<1003520x64xf32, #tpu.memory_space<hbm>>) target(%dma_start3A_6 : memref<512x64xf32, #tpu.memory_space<vmem>>) offsets(%dma_start3A_8 : memref<512xi32, #tpu.memory_space<vmem>>) semaphore(%arg7 : memref<!tpu.dma_semaphore, #tpu.memory_space<semaphore_mem>>)
    %dma_start3A_12 = arith.constant 1 : i32
    %dma_start3A_13 = arith.constant 0 : i32
    %dma_start3A_14 = arith.constant 0 : i32
    %dma_start3A_15 = tpu.memref_slice %arg6[%dma_start3A_12, %dma_start3A_13, %dma_start3A_14] : memref<2x512x64xf32, #tpu.memory_space<vmem>> -> memref<1x512x64xf32, #tpu.memory_space<vmem>>
    %dma_start3A_16 = tpu.memref_squeeze %dma_start3A_15 : memref<1x512x64xf32, #tpu.memory_space<vmem>> -> memref<512x64xf32, #tpu.memory_space<vmem>>
    %dma_start3A_17 = arith.constant 512 : i32
    %dma_start3A_18 = tpu.memref_slice %arg5[%dma_start3A_17] : memref<25600xi32, #tpu.memory_space<vmem>> -> memref<512xi32, #tpu.memory_space<vmem>>
    %dma_start3A_19 = arith.constant 0 : i32
    %dma_start3A_20 = arith.constant 0 : i32
    %dma_start3A_21 = tpu.memref_slice %arg3[%dma_start3A_19, %dma_start3A_20] : memref<1003520x64xf32, #tpu.memory_space<hbm>> -> memref<1003520x64xf32, #tpu.memory_space<hbm>>
    tpu.enqueue_indirect_dma source(%dma_start3A_21 : memref<1003520x64xf32, #tpu.memory_space<hbm>>) target(%dma_start3A_16 : memref<512x64xf32, #tpu.memory_space<vmem>>) offsets(%dma_start3A_18 : memref<512xi32, #tpu.memory_space<vmem>>) semaphore(%arg8 : memref<!tpu.dma_semaphore, #tpu.memory_space<semaphore_mem>>)
    %scan3A = arith.constant 0 : i32
    %scan3A_22 = arith.constant 0 : i32
    %scan3A_23 = arith.constant 24 : i32
    %scan3A_24 = arith.addi %scan3A_22, %scan3A_23 : i32
    %scan3A_25 = arith.constant 1 : i32
    scf.for %scan3A_106 = %scan3A_22 to %scan3A_24 step %scan3A_25  : i32 {
      %mul3A_107 = arith.constant 2 : i32
      %mul3A_108 = arith.muli %scan3A_106, %mul3A_107 : i32
      %add3A_109 = arith.constant 0 : i32
      %add3A_110 = arith.addi %mul3A_108, %add3A_109 : i32
      %mul3A_111 = arith.constant 512 : i32
      %mul3A_112 = arith.muli %add3A_110, %mul3A_111 : i32
      %dma_wait3A_113 = arith.constant 0 : i32
      %dma_wait3A_114 = arith.constant 0 : i32
      %dma_wait3A_115 = arith.constant 0 : i32
      %dma_wait3A_116 = tpu.memref_slice %arg6[%dma_wait3A_113, %dma_wait3A_114, %dma_wait3A_115] : memref<2x512x64xf32, #tpu.memory_space<vmem>> -> memref<1x512x64xf32, #tpu.memory_space<vmem>>
      %dma_wait3A_117 = tpu.memref_squeeze %dma_wait3A_116 : memref<1x512x64xf32, #tpu.memory_space<vmem>> -> memref<512x64xf32, #tpu.memory_space<vmem>>
      %dma_wait3A_118 = tpu.memref_slice %arg5[%mul3A_112] : memref<25600xi32, #tpu.memory_space<vmem>> -> memref<512xi32, #tpu.memory_space<vmem>>
      %dma_wait3A_119 = arith.constant 0 : i32
      %dma_wait3A_120 = arith.constant 0 : i32
      %dma_wait3A_121 = tpu.memref_slice %arg3[%dma_wait3A_119, %dma_wait3A_120] : memref<1003520x64xf32, #tpu.memory_space<hbm>> -> memref<1003520x64xf32, #tpu.memory_space<hbm>>
      tpu.wait_indirect_dma semaphore(%arg7 : memref<!tpu.dma_semaphore, #tpu.memory_space<semaphore_mem>>) src(%dma_wait3A_121 : memref<1003520x64xf32, #tpu.memory_space<hbm>>) dst(%dma_wait3A_117 : memref<512x64xf32, #tpu.memory_space<vmem>>)
      %mul3A_122 = arith.constant 512 : i32
      %mul3A_123 = arith.muli %add3A_110, %mul3A_122 : i32
      %add3A_124 = arith.addi %mul3A_2, %mul3A_123 : i32
      %dma_start3A_125 = arith.constant 0 : i32
      %dma_start3A_126 = arith.constant 0 : i32
      %dma_start3A_127 = arith.constant 0 : i32
      %dma_start3A_128 = tpu.memref_slice %arg6[%dma_start3A_125, %dma_start3A_126, %dma_start3A_127] : memref<2x512x64xf32, #tpu.memory_space<vmem>> -> memref<1x512x64xf32, #tpu.memory_space<vmem>>
      %dma_start3A_129 = tpu.memref_squeeze %dma_start3A_128 : memref<1x512x64xf32, #tpu.memory_space<vmem>> -> memref<512x64xf32, #tpu.memory_space<vmem>>
      %dma_start3A_130 = arith.constant 0 : i32
      %dma_start3A_131 = tpu.memref_slice %arg4[%add3A_124, %dma_start3A_130] : memref<819200x128xf32, #tpu.memory_space<hbm>> -> memref<512x64xf32, #tpu.memory_space<hbm>>
      %dma_start3A_132 = arith.constant 0 : i32
      %dma_start3A_133 = tpu.memref_slice %arg4[%add3A_124, %dma_start3A_132] : memref<819200x128xf32, #tpu.memory_space<hbm>> -> memref<512x64xf32, #tpu.memory_space<hbm>>
      %dma_start3A_134 = arith.constant 0 : i32
      %dma_start3A_135 = arith.constant 0 : i32
      %dma_start3A_136 = tpu.memref_slice %arg6[%dma_start3A_125, %dma_start3A_134, %dma_start3A_135] : memref<2x512x64xf32, #tpu.memory_space<vmem>> -> memref<1x512x64xf32, #tpu.memory_space<vmem>>
      %dma_start3A_137 = tpu.memref_squeeze %dma_start3A_136 : memref<1x512x64xf32, #tpu.memory_space<vmem>> -> memref<512x64xf32, #tpu.memory_space<vmem>>
      tpu.enqueue_dma source(%dma_start3A_137 : memref<512x64xf32, #tpu.memory_space<vmem>>) target(%dma_start3A_133 : memref<512x64xf32, #tpu.memory_space<hbm>>) target_semaphore(%arg9 : memref<!tpu.dma_semaphore, #tpu.memory_space<semaphore_mem>>)
      %mul3A_138 = arith.constant 2 : i32
      %mul3A_139 = arith.muli %scan3A_106, %mul3A_138 : i32
      %add3A_140 = arith.constant 1 : i32
      %add3A_141 = arith.addi %mul3A_139, %add3A_140 : i32
      %mul3A_142 = arith.constant 512 : i32
      %mul3A_143 = arith.muli %add3A_141, %mul3A_142 : i32
      %dma_wait3A_144 = arith.constant 1 : i32
      %dma_wait3A_145 = arith.constant 0 : i32
      %dma_wait3A_146 = arith.constant 0 : i32
      %dma_wait3A_147 = tpu.memref_slice %arg6[%dma_wait3A_144, %dma_wait3A_145, %dma_wait3A_146] : memref<2x512x64xf32, #tpu.memory_space<vmem>> -> memref<1x512x64xf32, #tpu.memory_space<vmem>>
      %dma_wait3A_148 = tpu.memref_squeeze %dma_wait3A_147 : memref<1x512x64xf32, #tpu.memory_space<vmem>> -> memref<512x64xf32, #tpu.memory_space<vmem>>
      %dma_wait3A_149 = tpu.memref_slice %arg5[%mul3A_143] : memref<25600xi32, #tpu.memory_space<vmem>> -> memref<512xi32, #tpu.memory_space<vmem>>
      %dma_wait3A_150 = arith.constant 0 : i32
      %dma_wait3A_151 = arith.constant 0 : i32
      %dma_wait3A_152 = tpu.memref_slice %arg3[%dma_wait3A_150, %dma_wait3A_151] : memref<1003520x64xf32, #tpu.memory_space<hbm>> -> memref<1003520x64xf32, #tpu.memory_space<hbm>>
      tpu.wait_indirect_dma semaphore(%arg8 : memref<!tpu.dma_semaphore, #tpu.memory_space<semaphore_mem>>) src(%dma_wait3A_152 : memref<1003520x64xf32, #tpu.memory_space<hbm>>) dst(%dma_wait3A_148 : memref<512x64xf32, #tpu.memory_space<vmem>>)
      %mul3A_153 = arith.constant 512 : i32
      %mul3A_154 = arith.muli %add3A_141, %mul3A_153 : i32
      %add3A_155 = arith.addi %mul3A_2, %mul3A_154 : i32
      %dma_start3A_156 = arith.constant 1 : i32
      %dma_start3A_157 = arith.constant 0 : i32
      %dma_start3A_158 = arith.constant 0 : i32
      %dma_start3A_159 = tpu.memref_slice %arg6[%dma_start3A_156, %dma_start3A_157, %dma_start3A_158] : memref<2x512x64xf32, #tpu.memory_space<vmem>> -> memref<1x512x64xf32, #tpu.memory_space<vmem>>
      %dma_start3A_160 = tpu.memref_squeeze %dma_start3A_159 : memref<1x512x64xf32, #tpu.memory_space<vmem>> -> memref<512x64xf32, #tpu.memory_space<vmem>>
      %dma_start3A_161 = arith.constant 0 : i32
      %dma_start3A_162 = tpu.memref_slice %arg4[%add3A_155, %dma_start3A_161] : memref<819200x128xf32, #tpu.memory_space<hbm>> -> memref<512x64xf32, #tpu.memory_space<hbm>>
      %dma_start3A_163 = arith.constant 0 : i32
      %dma_start3A_164 = tpu.memref_slice %arg4[%add3A_155, %dma_start3A_163] : memref<819200x128xf32, #tpu.memory_space<hbm>> -> memref<512x64xf32, #tpu.memory_space<hbm>>
      %dma_start3A_165 = arith.constant 0 : i32
      %dma_start3A_166 = arith.constant 0 : i32
      %dma_start3A_167 = tpu.memref_slice %arg6[%dma_start3A_156, %dma_start3A_165, %dma_start3A_166] : memref<2x512x64xf32, #tpu.memory_space<vmem>> -> memref<1x512x64xf32, #tpu.memory_space<vmem>>
      %dma_start3A_168 = tpu.memref_squeeze %dma_start3A_167 : memref<1x512x64xf32, #tpu.memory_space<vmem>> -> memref<512x64xf32, #tpu.memory_space<vmem>>
      tpu.enqueue_dma source(%dma_start3A_168 : memref<512x64xf32, #tpu.memory_space<vmem>>) target(%dma_start3A_164 : memref<512x64xf32, #tpu.memory_space<hbm>>) target_semaphore(%arg10 : memref<!tpu.dma_semaphore, #tpu.memory_space<semaphore_mem>>)
      %mul3A_169 = arith.constant 2 : i32
      %mul3A_170 = arith.muli %scan3A_106, %mul3A_169 : i32
      %add3A_171 = arith.constant 0 : i32
      %add3A_172 = arith.addi %mul3A_170, %add3A_171 : i32
      %mul3A_173 = arith.constant 512 : i32
      %mul3A_174 = arith.muli %add3A_172, %mul3A_173 : i32
      %add3A_175 = arith.addi %mul3A_2, %mul3A_174 : i32
      %dma_wait3A_176 = arith.constant 0 : i32
      %dma_wait3A_177 = arith.constant 0 : i32
      %dma_wait3A_178 = arith.constant 0 : i32
      %dma_wait3A_179 = tpu.memref_slice %arg6[%dma_wait3A_176, %dma_wait3A_177, %dma_wait3A_178] : memref<2x512x64xf32, #tpu.memory_space<vmem>> -> memref<1x512x64xf32, #tpu.memory_space<vmem>>
      %dma_wait3A_180 = tpu.memref_squeeze %dma_wait3A_179 : memref<1x512x64xf32, #tpu.memory_space<vmem>> -> memref<512x64xf32, #tpu.memory_space<vmem>>
      %dma_wait3A_181 = arith.constant 0 : i32
      %dma_wait3A_182 = tpu.memref_slice %arg4[%add3A_175, %dma_wait3A_181] : memref<819200x128xf32, #tpu.memory_space<hbm>> -> memref<512x64xf32, #tpu.memory_space<hbm>>
      %dma_wait3A_183 = arith.constant 0 : i32
      %dma_wait3A_184 = tpu.memref_slice %arg4[%add3A_175, %dma_wait3A_183] : memref<819200x128xf32, #tpu.memory_space<hbm>> -> memref<512x64xf32, #tpu.memory_space<hbm>>
      %dma_wait3A_185 = arith.constant 0 : i32
      %dma_wait3A_186 = arith.constant 0 : i32
      %dma_wait3A_187 = tpu.memref_slice %arg6[%dma_wait3A_176, %dma_wait3A_185, %dma_wait3A_186] : memref<2x512x64xf32, #tpu.memory_space<vmem>> -> memref<1x512x64xf32, #tpu.memory_space<vmem>>
      %dma_wait3A_188 = tpu.memref_squeeze %dma_wait3A_187 : memref<1x512x64xf32, #tpu.memory_space<vmem>> -> memref<512x64xf32, #tpu.memory_space<vmem>>
      tpu.wait_dma2 semaphore(%arg9 : memref<!tpu.dma_semaphore, #tpu.memory_space<semaphore_mem>>) src(%dma_wait3A_188 : memref<512x64xf32, #tpu.memory_space<vmem>>) dst(%dma_wait3A_184 : memref<512x64xf32, #tpu.memory_space<hbm>>)
      %add3A_189 = arith.constant 2 : i32
      %add3A_190 = arith.addi %add3A_172, %add3A_189 : i32
      %mul3A_191 = arith.constant 512 : i32
      %mul3A_192 = arith.muli %add3A_190, %mul3A_191 : i32
      %dma_start3A_193 = arith.constant 0 : i32
      %dma_start3A_194 = arith.constant 0 : i32
      %dma_start3A_195 = arith.constant 0 : i32
      %dma_start3A_196 = tpu.memref_slice %arg6[%dma_start3A_193, %dma_start3A_194, %dma_start3A_195] : memref<2x512x64xf32, #tpu.memory_space<vmem>> -> memref<1x512x64xf32, #tpu.memory_space<vmem>>
      %dma_start3A_197 = tpu.memref_squeeze %dma_start3A_196 : memref<1x512x64xf32, #tpu.memory_space<vmem>> -> memref<512x64xf32, #tpu.memory_space<vmem>>
      %dma_start3A_198 = tpu.memref_slice %arg5[%mul3A_192] : memref<25600xi32, #tpu.memory_space<vmem>> -> memref<512xi32, #tpu.memory_space<vmem>>
      %dma_start3A_199 = arith.constant 0 : i32
      %dma_start3A_200 = arith.constant 0 : i32
      %dma_start3A_201 = tpu.memref_slice %arg3[%dma_start3A_199, %dma_start3A_200] : memref<1003520x64xf32, #tpu.memory_space<hbm>> -> memref<1003520x64xf32, #tpu.memory_space<hbm>>
      tpu.enqueue_indirect_dma source(%dma_start3A_201 : memref<1003520x64xf32, #tpu.memory_space<hbm>>) target(%dma_start3A_197 : memref<512x64xf32, #tpu.memory_space<vmem>>) offsets(%dma_start3A_198 : memref<512xi32, #tpu.memory_space<vmem>>) semaphore(%arg7 : memref<!tpu.dma_semaphore, #tpu.memory_space<semaphore_mem>>)
      %mul3A_202 = arith.constant 2 : i32
      %mul3A_203 = arith.muli %scan3A_106, %mul3A_202 : i32
      %add3A_204 = arith.constant 1 : i32
      %add3A_205 = arith.addi %mul3A_203, %add3A_204 : i32
      %mul3A_206 = arith.constant 512 : i32
      %mul3A_207 = arith.muli %add3A_205, %mul3A_206 : i32
      %add3A_208 = arith.addi %mul3A_2, %mul3A_207 : i32
      %dma_wait3A_209 = arith.constant 1 : i32
      %dma_wait3A_210 = arith.constant 0 : i32
      %dma_wait3A_211 = arith.constant 0 : i32
      %dma_wait3A_212 = tpu.memref_slice %arg6[%dma_wait3A_209, %dma_wait3A_210, %dma_wait3A_211] : memref<2x512x64xf32, #tpu.memory_space<vmem>> -> memref<1x512x64xf32, #tpu.memory_space<vmem>>
      %dma_wait3A_213 = tpu.memref_squeeze %dma_wait3A_212 : memref<1x512x64xf32, #tpu.memory_space<vmem>> -> memref<512x64xf32, #tpu.memory_space<vmem>>
      %dma_wait3A_214 = arith.constant 0 : i32
      %dma_wait3A_215 = tpu.memref_slice %arg4[%add3A_208, %dma_wait3A_214] : memref<819200x128xf32, #tpu.memory_space<hbm>> -> memref<512x64xf32, #tpu.memory_space<hbm>>
      %dma_wait3A_216 = arith.constant 0 : i32
      %dma_wait3A_217 = tpu.memref_slice %arg4[%add3A_208, %dma_wait3A_216] : memref<819200x128xf32, #tpu.memory_space<hbm>> -> memref<512x64xf32, #tpu.memory_space<hbm>>
      %dma_wait3A_218 = arith.constant 0 : i32
      %dma_wait3A_219 = arith.constant 0 : i32
      %dma_wait3A_220 = tpu.memref_slice %arg6[%dma_wait3A_209, %dma_wait3A_218, %dma_wait3A_219] : memref<2x512x64xf32, #tpu.memory_space<vmem>> -> memref<1x512x64xf32, #tpu.memory_space<vmem>>
      %dma_wait3A_221 = tpu.memref_squeeze %dma_wait3A_220 : memref<1x512x64xf32, #tpu.memory_space<vmem>> -> memref<512x64xf32, #tpu.memory_space<vmem>>
      tpu.wait_dma2 semaphore(%arg10 : memref<!tpu.dma_semaphore, #tpu.memory_space<semaphore_mem>>) src(%dma_wait3A_221 : memref<512x64xf32, #tpu.memory_space<vmem>>) dst(%dma_wait3A_217 : memref<512x64xf32, #tpu.memory_space<hbm>>)
      %add3A_222 = arith.constant 2 : i32
      %add3A_223 = arith.addi %add3A_205, %add3A_222 : i32
      %mul3A_224 = arith.constant 512 : i32
      %mul3A_225 = arith.muli %add3A_223, %mul3A_224 : i32
      %dma_start3A_226 = arith.constant 1 : i32
      %dma_start3A_227 = arith.constant 0 : i32
      %dma_start3A_228 = arith.constant 0 : i32
      %dma_start3A_229 = tpu.memref_slice %arg6[%dma_start3A_226, %dma_start3A_227, %dma_start3A_228] : memref<2x512x64xf32, #tpu.memory_space<vmem>> -> memref<1x512x64xf32, #tpu.memory_space<vmem>>
      %dma_start3A_230 = tpu.memref_squeeze %dma_start3A_229 : memref<1x512x64xf32, #tpu.memory_space<vmem>> -> memref<512x64xf32, #tpu.memory_space<vmem>>
      %dma_start3A_231 = tpu.memref_slice %arg5[%mul3A_225] : memref<25600xi32, #tpu.memory_space<vmem>> -> memref<512xi32, #tpu.memory_space<vmem>>
      %dma_start3A_232 = arith.constant 0 : i32
      %dma_start3A_233 = arith.constant 0 : i32
      %dma_start3A_234 = tpu.memref_slice %arg3[%dma_start3A_232, %dma_start3A_233] : memref<1003520x64xf32, #tpu.memory_space<hbm>> -> memref<1003520x64xf32, #tpu.memory_space<hbm>>
      tpu.enqueue_indirect_dma source(%dma_start3A_234 : memref<1003520x64xf32, #tpu.memory_space<hbm>>) target(%dma_start3A_230 : memref<512x64xf32, #tpu.memory_space<vmem>>) offsets(%dma_start3A_231 : memref<512xi32, #tpu.memory_space<vmem>>) semaphore(%arg8 : memref<!tpu.dma_semaphore, #tpu.memory_space<semaphore_mem>>)
    }
    %scan3A_26 = arith.constant 24 : i32
    %dma_wait3A = arith.constant 0 : i32
    %dma_wait3A_27 = arith.constant 0 : i32
    %dma_wait3A_28 = arith.constant 0 : i32
    %dma_wait3A_29 = tpu.memref_slice %arg6[%dma_wait3A, %dma_wait3A_27, %dma_wait3A_28] : memref<2x512x64xf32, #tpu.memory_space<vmem>> -> memref<1x512x64xf32, #tpu.memory_space<vmem>>
    %dma_wait3A_30 = tpu.memref_squeeze %dma_wait3A_29 : memref<1x512x64xf32, #tpu.memory_space<vmem>> -> memref<512x64xf32, #tpu.memory_space<vmem>>
    %dma_wait3A_31 = arith.constant 24576 : i32
    %dma_wait3A_32 = tpu.memref_slice %arg5[%dma_wait3A_31] : memref<25600xi32, #tpu.memory_space<vmem>> -> memref<512xi32, #tpu.memory_space<vmem>>
    %dma_wait3A_33 = arith.constant 0 : i32
    %dma_wait3A_34 = arith.constant 0 : i32
    %dma_wait3A_35 = tpu.memref_slice %arg3[%dma_wait3A_33, %dma_wait3A_34] : memref<1003520x64xf32, #tpu.memory_space<hbm>> -> memref<1003520x64xf32, #tpu.memory_space<hbm>>
    tpu.wait_indirect_dma semaphore(%arg7 : memref<!tpu.dma_semaphore, #tpu.memory_space<semaphore_mem>>) src(%dma_wait3A_35 : memref<1003520x64xf32, #tpu.memory_space<hbm>>) dst(%dma_wait3A_30 : memref<512x64xf32, #tpu.memory_space<vmem>>)
    %add3A_36 = arith.constant 24576 : i32
    %add3A_37 = arith.addi %mul3A_2, %add3A_36 : i32
    %dma_start3A_38 = arith.constant 0 : i32
    %dma_start3A_39 = arith.constant 0 : i32
    %dma_start3A_40 = arith.constant 0 : i32
    %dma_start3A_41 = tpu.memref_slice %arg6[%dma_start3A_38, %dma_start3A_39, %dma_start3A_40] : memref<2x512x64xf32, #tpu.memory_space<vmem>> -> memref<1x512x64xf32, #tpu.memory_space<vmem>>
    %dma_start3A_42 = tpu.memref_squeeze %dma_start3A_41 : memref<1x512x64xf32, #tpu.memory_space<vmem>> -> memref<512x64xf32, #tpu.memory_space<vmem>>
    %dma_start3A_43 = arith.constant 0 : i32
    %dma_start3A_44 = tpu.memref_slice %arg4[%add3A_37, %dma_start3A_43] : memref<819200x128xf32, #tpu.memory_space<hbm>> -> memref<512x64xf32, #tpu.memory_space<hbm>>
    %dma_start3A_45 = arith.constant 0 : i32
    %dma_start3A_46 = tpu.memref_slice %arg4[%add3A_37, %dma_start3A_45] : memref<819200x128xf32, #tpu.memory_space<hbm>> -> memref<512x64xf32, #tpu.memory_space<hbm>>
    %dma_start3A_47 = arith.constant 0 : i32
    %dma_start3A_48 = arith.constant 0 : i32
    %dma_start3A_49 = tpu.memref_slice %arg6[%dma_start3A_38, %dma_start3A_47, %dma_start3A_48] : memref<2x512x64xf32, #tpu.memory_space<vmem>> -> memref<1x512x64xf32, #tpu.memory_space<vmem>>
    %dma_start3A_50 = tpu.memref_squeeze %dma_start3A_49 : memref<1x512x64xf32, #tpu.memory_space<vmem>> -> memref<512x64xf32, #tpu.memory_space<vmem>>
    tpu.enqueue_dma source(%dma_start3A_50 : memref<512x64xf32, #tpu.memory_space<vmem>>) target(%dma_start3A_46 : memref<512x64xf32, #tpu.memory_space<hbm>>) target_semaphore(%arg9 : memref<!tpu.dma_semaphore, #tpu.memory_space<semaphore_mem>>)
    %dma_wait3A_51 = arith.constant 1 : i32
    %dma_wait3A_52 = arith.constant 0 : i32
    %dma_wait3A_53 = arith.constant 0 : i32
    %dma_wait3A_54 = tpu.memref_slice %arg6[%dma_wait3A_51, %dma_wait3A_52, %dma_wait3A_53] : memref<2x512x64xf32, #tpu.memory_space<vmem>> -> memref<1x512x64xf32, #tpu.memory_space<vmem>>
    %dma_wait3A_55 = tpu.memref_squeeze %dma_wait3A_54 : memref<1x512x64xf32, #tpu.memory_space<vmem>> -> memref<512x64xf32, #tpu.memory_space<vmem>>
    %dma_wait3A_56 = arith.constant 25088 : i32
    %dma_wait3A_57 = tpu.memref_slice %arg5[%dma_wait3A_56] : memref<25600xi32, #tpu.memory_space<vmem>> -> memref<512xi32, #tpu.memory_space<vmem>>
    %dma_wait3A_58 = arith.constant 0 : i32
    %dma_wait3A_59 = arith.constant 0 : i32
    %dma_wait3A_60 = tpu.memref_slice %arg3[%dma_wait3A_58, %dma_wait3A_59] : memref<1003520x64xf32, #tpu.memory_space<hbm>> -> memref<1003520x64xf32, #tpu.memory_space<hbm>>
    tpu.wait_indirect_dma semaphore(%arg8 : memref<!tpu.dma_semaphore, #tpu.memory_space<semaphore_mem>>) src(%dma_wait3A_60 : memref<1003520x64xf32, #tpu.memory_space<hbm>>) dst(%dma_wait3A_55 : memref<512x64xf32, #tpu.memory_space<vmem>>)
    %add3A_61 = arith.constant 25088 : i32
    %add3A_62 = arith.addi %mul3A_2, %add3A_61 : i32
    %dma_start3A_63 = arith.constant 1 : i32
    %dma_start3A_64 = arith.constant 0 : i32
    %dma_start3A_65 = arith.constant 0 : i32
    %dma_start3A_66 = tpu.memref_slice %arg6[%dma_start3A_63, %dma_start3A_64, %dma_start3A_65] : memref<2x512x64xf32, #tpu.memory_space<vmem>> -> memref<1x512x64xf32, #tpu.memory_space<vmem>>
    %dma_start3A_67 = tpu.memref_squeeze %dma_start3A_66 : memref<1x512x64xf32, #tpu.memory_space<vmem>> -> memref<512x64xf32, #tpu.memory_space<vmem>>
    %dma_start3A_68 = arith.constant 0 : i32
    %dma_start3A_69 = tpu.memref_slice %arg4[%add3A_62, %dma_start3A_68] : memref<819200x128xf32, #tpu.memory_space<hbm>> -> memref<512x64xf32, #tpu.memory_space<hbm>>
    %dma_start3A_70 = arith.constant 0 : i32
    %dma_start3A_71 = tpu.memref_slice %arg4[%add3A_62, %dma_start3A_70] : memref<819200x128xf32, #tpu.memory_space<hbm>> -> memref<512x64xf32, #tpu.memory_space<hbm>>
    %dma_start3A_72 = arith.constant 0 : i32
    %dma_start3A_73 = arith.constant 0 : i32
    %dma_start3A_74 = tpu.memref_slice %arg6[%dma_start3A_63, %dma_start3A_72, %dma_start3A_73] : memref<2x512x64xf32, #tpu.memory_space<vmem>> -> memref<1x512x64xf32, #tpu.memory_space<vmem>>
    %dma_start3A_75 = tpu.memref_squeeze %dma_start3A_74 : memref<1x512x64xf32, #tpu.memory_space<vmem>> -> memref<512x64xf32, #tpu.memory_space<vmem>>
    tpu.enqueue_dma source(%dma_start3A_75 : memref<512x64xf32, #tpu.memory_space<vmem>>) target(%dma_start3A_71 : memref<512x64xf32, #tpu.memory_space<hbm>>) target_semaphore(%arg10 : memref<!tpu.dma_semaphore, #tpu.memory_space<semaphore_mem>>)
    %add3A_76 = arith.constant 24576 : i32
    %add3A_77 = arith.addi %mul3A_2, %add3A_76 : i32
    %dma_wait3A_78 = arith.constant 0 : i32
    %dma_wait3A_79 = arith.constant 0 : i32
    %dma_wait3A_80 = arith.constant 0 : i32
    %dma_wait3A_81 = tpu.memref_slice %arg6[%dma_wait3A_78, %dma_wait3A_79, %dma_wait3A_80] : memref<2x512x64xf32, #tpu.memory_space<vmem>> -> memref<1x512x64xf32, #tpu.memory_space<vmem>>
    %dma_wait3A_82 = tpu.memref_squeeze %dma_wait3A_81 : memref<1x512x64xf32, #tpu.memory_space<vmem>> -> memref<512x64xf32, #tpu.memory_space<vmem>>
    %dma_wait3A_83 = arith.constant 0 : i32
    %dma_wait3A_84 = tpu.memref_slice %arg4[%add3A_77, %dma_wait3A_83] : memref<819200x128xf32, #tpu.memory_space<hbm>> -> memref<512x64xf32, #tpu.memory_space<hbm>>
    %dma_wait3A_85 = arith.constant 0 : i32
    %dma_wait3A_86 = tpu.memref_slice %arg4[%add3A_77, %dma_wait3A_85] : memref<819200x128xf32, #tpu.memory_space<hbm>> -> memref<512x64xf32, #tpu.memory_space<hbm>>
    %dma_wait3A_87 = arith.constant 0 : i32
    %dma_wait3A_88 = arith.constant 0 : i32
    %dma_wait3A_89 = tpu.memref_slice %arg6[%dma_wait3A_78, %dma_wait3A_87, %dma_wait3A_88] : memref<2x512x64xf32, #tpu.memory_space<vmem>> -> memref<1x512x64xf32, #tpu.memory_space<vmem>>
    %dma_wait3A_90 = tpu.memref_squeeze %dma_wait3A_89 : memref<1x512x64xf32, #tpu.memory_space<vmem>> -> memref<512x64xf32, #tpu.memory_space<vmem>>
    tpu.wait_dma2 semaphore(%arg9 : memref<!tpu.dma_semaphore, #tpu.memory_space<semaphore_mem>>) src(%dma_wait3A_90 : memref<512x64xf32, #tpu.memory_space<vmem>>) dst(%dma_wait3A_86 : memref<512x64xf32, #tpu.memory_space<hbm>>)
    %add3A_91 = arith.constant 25088 : i32
    %add3A_92 = arith.addi %mul3A_2, %add3A_91 : i32
    %dma_wait3A_93 = arith.constant 1 : i32
    %dma_wait3A_94 = arith.constant 0 : i32
    %dma_wait3A_95 = arith.constant 0 : i32
    %dma_wait3A_96 = tpu.memref_slice %arg6[%dma_wait3A_93, %dma_wait3A_94, %dma_wait3A_95] : memref<2x512x64xf32, #tpu.memory_space<vmem>> -> memref<1x512x64xf32, #tpu.memory_space<vmem>>
    %dma_wait3A_97 = tpu.memref_squeeze %dma_wait3A_96 : memref<1x512x64xf32, #tpu.memory_space<vmem>> -> memref<512x64xf32, #tpu.memory_space<vmem>>
    %dma_wait3A_98 = arith.constant 0 : i32
    %dma_wait3A_99 = tpu.memref_slice %arg4[%add3A_92, %dma_wait3A_98] : memref<819200x128xf32, #tpu.memory_space<hbm>> -> memref<512x64xf32, #tpu.memory_space<hbm>>
    %dma_wait3A_100 = arith.constant 0 : i32
    %dma_wait3A_101 = tpu.memref_slice %arg4[%add3A_92, %dma_wait3A_100] : memref<819200x128xf32, #tpu.memory_space<hbm>> -> memref<512x64xf32, #tpu.memory_space<hbm>>
    %dma_wait3A_102 = arith.constant 0 : i32
    %dma_wait3A_103 = arith.constant 0 : i32
    %dma_wait3A_104 = tpu.memref_slice %arg6[%dma_wait3A_93, %dma_wait3A_102, %dma_wait3A_103] : memref<2x512x64xf32, #tpu.memory_space<vmem>> -> memref<1x512x64xf32, #tpu.memory_space<vmem>>
    %dma_wait3A_105 = tpu.memref_squeeze %dma_wait3A_104 : memref<1x512x64xf32, #tpu.memory_space<vmem>> -> memref<512x64xf32, #tpu.memory_space<vmem>>
    tpu.wait_dma2 semaphore(%arg10 : memref<!tpu.dma_semaphore, #tpu.memory_space<semaphore_mem>>) src(%dma_wait3A_105 : memref<512x64xf32, #tpu.memory_space<vmem>>) dst(%dma_wait3A_101 : memref<512x64xf32, #tpu.memory_space<hbm>>)
    return
  }
}

module attributes {stable_mosaic.version = 14 : i64} {
  func.func @_outx_body(%arg0: i32, %arg1: i32, %arg2: memref<1x8192x128xf32, #tpu.memory_space<vmem>>, %arg3: memref<1x64x8192xf32, #tpu.memory_space<vmem>>) attributes {dimension_semantics = [#tpu.dimension_semantics<arbitrary>, #tpu.dimension_semantics<arbitrary>], iteration_bounds = array<i64: 50, 2>, scalar_prefetch = 0 : i64, scratch_operands = 0 : i64, tpu.core_type = #tpu.core_type<tc>, window_params = [{transform_indices = @transform_0, window_bounds = array<i64: 1, 8192, 128>}, {transform_indices = @transform_1, window_bounds = array<i64: 1, 64, 8192>}]} {
    %get3A = arith.constant 0 : index
    %get3A_0 = arith.constant 0 : index
    %get3A_1 = arith.constant 0 : index
    %get3A_2 = vector.load %arg2[%get3A, %get3A_0, %get3A_1] : memref<1x8192x128xf32, #tpu.memory_space<vmem>>, vector<1x8192x128xf32>
    %squeeze3A = vector.shape_cast %get3A_2 : vector<1x8192x128xf32> to vector<8192x128xf32>
    %slice3A = vector.extract_strided_slice %squeeze3A {offsets = [0, 0], sizes = [8192, 64], strides = [1, 1]} : vector<8192x128xf32> to vector<8192x64xf32>
    %transpose3A = tpu.transpose %slice3A, [1, 0] : vector<8192x64xf32> -> vector<64x8192xf32>
    %broadcast_in_dim3A = vector.shape_cast %transpose3A : vector<64x8192xf32> to vector<1x64x8192xf32>
    %swap3A = arith.constant 0 : index
    %swap3A_3 = arith.constant 0 : index
    %swap3A_4 = arith.constant 0 : index
    %swap3A_5 = vector.load %arg3[%swap3A, %swap3A_3, %swap3A_4] : memref<1x64x8192xf32, #tpu.memory_space<vmem>>, vector<1x64x8192xf32>
    tpu.vector_store %arg3[%swap3A, %swap3A_3, %swap3A_4], %broadcast_in_dim3A {strides = array<i32>} : memref<1x64x8192xf32, #tpu.memory_space<vmem>>, vector<1x64x8192xf32>,
    return
  }
  func.func @transform_0(%arg0: i32, %arg1: i32) -> (i32, i32, i32) {
    %c0_i32 = arith.constant 0 : i32
    %c0_i32_0 = arith.constant 0 : i32
    return %arg0, %arg1, %c0_i32 : i32, i32, i32
  }
  func.func @transform_1(%arg0: i32, %arg1: i32) -> (i32, i32, i32) {
    %c0_i32 = arith.constant 0 : i32
    %c0_i32_0 = arith.constant 0 : i32
    return %arg0, %c0_i32, %arg1 : i32, i32, i32
  }
}

module attributes {stable_mosaic.version = 14 : i64} {
  func.func @_relayout_body(%arg0: i32, %arg1: memref<64x4096xf32, #tpu.memory_space<vmem>>, %arg2: memref<2048x128xf32, #tpu.memory_space<vmem>>) attributes {dimension_semantics = [#tpu.dimension_semantics<arbitrary>], iteration_bounds = array<i64: 245>, scalar_prefetch = 0 : i64, scratch_operands = 0 : i64, tpu.core_type = #tpu.core_type<tc>, window_params = [{transform_indices = @transform_0, window_bounds = array<i64: 64, 4096>}, {transform_indices = @transform_1, window_bounds = array<i64: 2048, 128>}]} {
    %get3A = arith.constant 0 : index
    %get3A_0 = arith.constant 0 : index
    %get3A_1 = vector.load %arg1[%get3A, %get3A_0] : memref<64x4096xf32, #tpu.memory_space<vmem>>, vector<64x4096xf32>
    %transpose3A = tpu.transpose %get3A_1, [1, 0] : vector<64x4096xf32> -> vector<4096x64xf32>
    %slice3A = vector.extract_strided_slice %transpose3A {offsets = [0, 0], sizes = [2048, 64], strides = [1, 1]} : vector<4096x64xf32> to vector<2048x64xf32>
    %slice3A_2 = vector.extract_strided_slice %transpose3A {offsets = [2048, 0], sizes = [2048, 64], strides = [1, 1]} : vector<4096x64xf32> to vector<2048x64xf32>
    %concatenate3A = tpu.concatenate %slice3A, %slice3A_2 in 1 : vector<2048x64xf32>, vector<2048x64xf32> -> vector<2048x128xf32>
    %swap3A = arith.constant 0 : index
    %swap3A_3 = arith.constant 0 : index
    %swap3A_4 = vector.load %arg2[%swap3A, %swap3A_3] : memref<2048x128xf32, #tpu.memory_space<vmem>>, vector<2048x128xf32>
    tpu.vector_store %arg2[%swap3A, %swap3A_3], %concatenate3A {strides = array<i32>} : memref<2048x128xf32, #tpu.memory_space<vmem>>, vector<2048x128xf32>,
    return
  }
  func.func @transform_0(%arg0: i32) -> (i32, i32) {
    %c0_i32 = arith.constant 0 : i32
    %c0_i32_0 = arith.constant 0 : i32
    return %c0_i32, %arg0 : i32, i32
  }
  func.func @transform_1(%arg0: i32) -> (i32, i32) {
    %c0_i32 = arith.constant 0 : i32
    %c0_i32_0 = arith.constant 0 : i32
    return %arg0, %c0_i32 : i32, i32
  }
}

</mosaic_0001>

<sc_bundles>
// kernel: kernel.5.cloned.1.call-start
scs
__scs_entry_jumppad:
0x0: {  	(pc) =	sbr.rel $0x88, $3  }
0x1: {  	(tag) =	ssettag $0x0;
	lr =	simm.s32 $0x1  }
0x2: {  	[smem:$0x3F9F] =	sst lr;
	_ =	strace $0xD0000000  }
0x3: {  	_ = 	snop  }
0x4: {  	_ = 	snop  }
0x5: {  	_ = 	snop  }
0x6: {  	_ = 	snop  }
0x7: {  	_ = 	snop  }
__scs_overlays_trampoline_lowered:
0x8: {  	[smem:$0x3FAE] =	sst s0  }
0x9: {  	[smem:$0x3FAF] =	sst s1  }
0xa: {  	[smem:$0x3FB0] =	sst s2  }
0xb: {  	[smem:$0x3FB1] =	sst s3  }
0xc: {  	[smem:$0x3FB2] =	sst s4  }
0xd: {  	[smem:$0x3FB3] =	sst s5  }
0xe: {  	[smem:$0x3FB4] =	sst s6  }
0xf: {  	[smem:$0x3FB5] =	sst s7  }
0x10: {  	[smem:$0x3FB6] =	sst s8  }
0x11: {  	[smem:$0x3FB7] =	sst s9;
	s0 =	simm.s32 @!p0 $0x0  }
0x12: {  	s1 =	sld [smem:$0x3F9D];
	s0 =	simm.s32 @p0 $0x1  }
0x13: {  	[smem:$0x3FB8] =	sst s0;
	s0 =	simm.s32 @!p1 $0x0  }
0x14: {  	s2 =	sld [smem:$0x3F9C];
	s0 =	simm.s32 @p1 $0x1  }
0x15: {  	[smem:$0x3FB9] =	sst s0;
	s0 =	simm.s32 @!p2 $0x0  }
0x16: {  	s3 =	sld [smem:$0x3FDB];
	s0 =	simm.s32 @p2 $0x1  }
0x17: {  	s4 =	simm.s32 $0x1BF5;
	[smem:$0x3FBB] =	sst s0  }
0x18: {  	s0 =	sld [smem:$0x3F9E];
	_ =	swait.ge [sflag:s4], $0x0  }
0x19: {  	s7 =	sld [smem:$0x3F9F]  }
0x1a: {  	s8 =	sadd.s32 $0xFFFFE003, lr  }
0x1b: {  	s9 =	sadd.s32 $0xFFFFFEF7, lr;
	s5 =	simm.s32 $0xFFFFFFFF;
	p2 =	slt.u32 s8, $0xFFFFF086  }
0x1c: {  	p1 =	slt.u32 s9, $0xF7A;
	s5 =	simm.s32 @!p2 $0x0  }
0x1d: {  	s5 =	simm.s32 @p1 $0x1;
	p0 =	seq.s32 s7, s2  }
0x1e: {  	s7 =	smul.u32 @!p0 $0xF7A, s2;
	p2 =	seq.s32 @!p0 s5, $0x0  }
0x1f: {  	s9 =	smul.u32 $0xF7A, s1;
	s8 =	simm.s32 @!p0 $0x1BF5;
	p2 =	por !p2, p0  }
0x20: {  	[sflag:s8] =	ssyncset.s32 @!p0 $0xFFFFF086;
	s6 =	sadd.s32 @!p0 s3, s7;
	s7 =	simm.s32 @!p0 $0x108  }
0x21: {  	s3 =	sadd.s32 s3, s9;
	s6 =	sadd.s32 @!p0 $0x88, s6;
	s7 =	simm.s32 @p2 $0x1082  }
0x22: {  	[simem:s7], [sflag:s8] =	dma.local @!p0 [hbm:s6], $0xF7A  }
0x23: {  	s9 =	sor.u32 $0xD0000000, s2;
	s6 =	simm.s32 $0x108;
	_ =	swait.ge @!p0 [sflag:s8], $0x0  }
0x24: {  	s3 =	sadd.s32 $0x88, s3;
	s6 =	simm.s32 @!p1 $0x1082;
	[sflag:s4] =	ssyncset.s32 $0xFFFFF086  }
0x25: {  	[simem:s6], [sflag:s4] =	dma.local [hbm:s3], $0xF7A  }
0x26: {  	[smem:$0x3F9F] =	sst s1;
	(tag) =	ssettag s2;
	_ =	strace s9  }
0x27: {  	s1 =	sld [smem:$0x3FAF]  }
0x28: {  	s2 =	sld [smem:$0x3FB0]  }
0x29: {  	s4 =	sld [smem:$0x3FB2]  }
0x2a: {  	p0 =	seq.s32 s5, $0x0;
	s5 =	sld [smem:$0x3FB3]  }
0x2b: {  	s6 =	sld [smem:$0x3FB4]  }
0x2c: {  	s7 =	sld [smem:$0x3FB5]  }
0x2d: {  	s3 =	simm.s32 $0x108;
	s8 =	sld [smem:$0x3FB6]  }
0x2e: {  	s3 =	simm.s32 @!p0 $0x1082;
	s9 =	sld [smem:$0x3FB7]  }
0x2f: {  	lr =	sadd.s32 s0, s3;
	s0 =	sld [smem:$0x3FAE]  }
0x30: {  	s3 =	sld [smem:$0x3FB1]  }
0x31: {  	[smem:$0x3FBA] =	sst s10  }
0x32: {  	s10 =	sld [smem:$0x3FB8];
	_ =	sdelay $0x3  }
0x33: {  	p0 =	seq.s32 s10, $0x1;
	s10 =	sld [smem:$0x3FBA];
	_ =	sdelay $0x3  }
0x34: {  	[smem:$0x3FBA] =	sst s10  }
0x35: {  	s10 =	sld [smem:$0x3FB9];
	_ =	sdelay $0x3  }
0x36: {  	p1 =	seq.s32 s10, $0x1;
	s10 =	sld [smem:$0x3FBA];
	_ =	sdelay $0x3  }
0x37: {  	[smem:$0x3FBA] =	sst s10  }
0x38: {  	s10 =	sld [smem:$0x3FBB]  }
0x39: {  	_ = 	snop;
	(pc) =	sbr.ind lr, $3  }
0x3a: {  	_ = 	snop  }
0x3b: {  	_ = 	snop  }
0x3c: {  	p2 =	seq.s32 s10, $0x1;
	s10 =	sld [smem:$0x3FBA]  }
0x3d: {  	_ =	shalt  }
0x3e: {  	_ =	shalt  }
0x3f: {  	_ =	shalt  }
0x40: {  	_ =	shalt  }
0x41: {  	_ =	shalt  }
0x42: {  	_ =	shalt  }
0x43: {  	_ =	shalt  }
0x44: {  	_ =	shalt  }
0x45: {  	_ =	shalt  }
0x46: {  	_ =	shalt  }
0x47: {  	_ =	shalt  }
0x48: {  	_ =	shalt  }
0x49: {  	_ =	shalt  }
0x4a: {  	_ =	shalt  }
0x4b: {  	_ =	shalt  }
0x4c: {  	_ =	shalt  }
0x4d: {  	_ =	shalt  }
0x4e: {  	_ =	shalt  }
0x4f: {  	_ =	shalt  }
0x50: {  	_ =	shalt  }
0x51: {  	_ =	shalt  }
0x52: {  	_ =	shalt  }
0x53: {  	_ =	shalt  }
0x54: {  	_ =	shalt  }
0x55: {  	_ =	shalt  }
0x56: {  	_ =	shalt  }
0x57: {  	_ =	shalt  }
0x58: {  	_ =	shalt  }
0x59: {  	_ =	shalt  }
0x5a: {  	_ =	shalt  }
0x5b: {  	_ =	shalt  }
0x5c: {  	_ =	shalt  }
0x5d: {  	_ =	shalt  }
0x5e: {  	_ =	shalt  }
0x5f: {  	_ =	shalt  }
0x60: {  	_ =	shalt  }
0x61: {  	_ =	shalt  }
0x62: {  	_ =	shalt  }
0x63: {  	_ =	shalt  }
0x64: {  	_ =	shalt  }
0x65: {  	_ =	shalt  }
0x66: {  	_ =	shalt  }
0x67: {  	_ =	shalt  }
0x68: {  	_ =	shalt  }
0x69: {  	_ =	shalt  }
0x6a: {  	_ =	shalt  }
0x6b: {  	_ =	shalt  }
0x6c: {  	_ =	shalt  }
0x6d: {  	_ =	shalt  }
0x6e: {  	_ =	shalt  }
0x6f: {  	_ =	shalt  }
0x70: {  	_ =	shalt  }
0x71: {  	_ =	shalt  }
0x72: {  	_ =	shalt  }
0x73: {  	_ =	shalt  }
0x74: {  	_ =	shalt  }
0x75: {  	_ =	shalt  }
0x76: {  	_ =	shalt  }
0x77: {  	_ =	shalt  }
0x78: {  	_ =	shalt  }
0x79: {  	_ =	shalt  }
0x7a: {  	_ =	shalt  }
0x7b: {  	_ =	shalt  }
0x7c: {  	_ =	shalt  }
0x7d: {  	_ =	shalt  }
0x7e: {  	_ =	shalt  }
0x7f: {  	_ =	shalt  }
0x80: {  	_ =	shalt  }
0x81: {  	_ =	shalt  }
0x82: {  	_ =	shalt  }
0x83: {  	_ =	shalt  }
0x84: {  	_ =	shalt  }
0x85: {  	_ =	shalt  }
0x86: {  	_ =	shalt  }
0x87: {  	_ =	shalt  }
.Lfunc_end0:
.L_simem_size_0:
called_computation_lowered:
.L_overlay_start_0:
0x88: {  	s2 =	sld [smem:$0x3FD9]  }
0x89: {  	s3 =	sld [smem:$0x3FFE];
	_ =	sdelay $0x1  }
0x8a: {  	s1 =	srdreg.scid  }
0x8b: {  	s0 =	sand.u32 $0x1, s1  }
0x8c: {  	s17 =	sshll.u32 s0, $0xA;
	s2 =	sadd.s32 s3, s2  }
0x8d: {  	s2 =	sadd.s32 s2, s17  }
0x8e: {  	[smem:$0x3FC6] =	sst s2  }
0x8f: {  	_ = 	snop  }
0x90: {  	s2 =	sld [smem:$0x3FD0];
	(tm) =	ssettm $0x1  }
0x91: {  	s18 =	sld [smem:$0x3FFB];
	_ =	sdelay $0x3  }
0x92: {  	_ =	strace s18  }
0x93: {  	s3 =	sld [smem:$0x3FFC];
	_ =	sdelay $0x3  }
0x94: {  	_ =	strace s3  }
0x95: {  	s3 =	sld [smem:$0x3FFD];
	_ =	sdelay $0x3  }
0x96: {  	_ =	strace s3  }
0x97: {  	_ =	strace $0x8FFFFFFF  }
0x98: {  	s19 =	sld [smem:$0x3FDB];
	_ =	sdelay $0x1  }
0x99: {  	s4 =	simm.s32 $_scs_section_size  }
0x9a: {  	s5 =	simm.s32 $_size__tile_overlayer_lowered;
	s6 =	simm.s32 $_tile_overlayer_lowered  }
0x9b: {  	s22 =	simm.s32 $0x1BFF;
	s21 =	sshll.u32 s6, $0x1;
	s3 =	sadd.s32 s4, s19  }
0x9c: {  	s7 =	simm.s32 $0x0;
	s20 =	sshll.u32 s5, $0x1;
	s5 =	sadd.s32 s21, s3  }
0x9d: {  	[timem:s7], [sflag:s22] =	dma.local [hbm:s5], s20  }
0x9e: {  	_ =	swait.ge [sflag:s22], s20  }
0x9f: {  	s4 =	ssub.s32 $0x0, s20;
	[sflag:s22] =	ssyncset.done $0x0  }
0xa0: {  	[sflag:s22] =	ssyncadd.s32 s4;
	_ =	sdelay $0x1  }
0xa1: {  	s23 =	simm.s32 $0x1B8B  }
0xa2: {  	_ =	swait.ge [sflag:s23], $0x1  }
0xa3: {  	[sflag:s23] =	ssyncset.done $0x0  }
0xa4: {  	s25 =	simm.s32 $0x1B8E;
	s24 =	sld [smem:$0x3FFE];
	[sflag:s23] =	ssyncadd.s32 $0xFFFFFFFF  }
0xa5: {  	s26 =	simm.s32 $execute0_lowered;
	[smem:$0x3FD2] =	sst s25  }
0xa6: {  	s5 =	sshll.u32 s26, $0x1;
	_ =	strace $0x80000046;
	[dreg:$0x1] =	wrdreg $0xFFFFFFFF  }
0xa7: {  	s28 =	simm.s32 $_size_execute0_lowered;
	s3 =	sadd.s32 s3, s5;
	[dreg:$0x0] =	wrdreg $0x0  }
0xa8: {  	s5 =	sshll.u32 s28, $0x1;
	[dreg:$0x2] =	wrdreg s3  }
0xa9: {  	[dreg:$0x3] =	wrdreg s5  }
0xaa: {  	[dreg:$0x4] =	wrdreg $0xC0  }
0xab: {  	_ =	task [dreg:s7], $0x5FFFF  }
0xac: {  	[dreg:$0x1] =	wrdreg $0xFFFFFFFF  }
0xad: {  	[dreg:$0x0] =	wrdreg $0x60  }
0xae: {  	[dreg:$0x2] =	wrdreg s2  }
0xaf: {  	[dreg:$0x3] =	wrdreg s24  }
0xb0: {  	[dreg:$0x4] =	wrdreg $0x9  }
0xb1: {  	_ =	task.clear_ibuf [dreg:s7], $0x5FFFF;
	_ =	strace $0x90000046  }
0xb2: {  	s29 =	simm.s32 $0x9;
	_ =	strace $0x80000048  }
0xb3: {  	_ =	swait.ge [sflag:s29], $0x1  }
0xb4: {  	[sflag:s29] =	ssyncadd.s32 $0xFFFFFFFF  }
0xb5: {  	_ =	strace $0x90000048  }
0xb6: {  	_ =	sfence  }
0xb7: {  	s30 =	sld [smem:$0x0];
	_ =	sdelay $0x2  }
0xb8: {  	s31 =	sshll.u32 s1, $0xD;
	s1 =	sshrl.u32 s1, $0x2  }
0xb9: {  	s3 =	sand.u32 $0x4000, s31;
	s1 =	sadd.s32 s1, s30  }
0xba: {  	s0 =	sor.u32 s3, s0;
	s1 =	sshll.u32 s1, $0x11  }
0xbb: {  	s0 =	sor.u32 s1, s0  }
0xbc: {  	s0 =	sadd.s32 $0x8F2B, s0  }
0xbd: {  	[sflag:s0] =	ssyncadd.remote.s32 $0x1  }
0xbe: {  	_ =	sfence.sel $0xFFFF  }
0xbf: {  	[dreg:$0x0] =	wrdreg $0xFFFFFFFF;
	(pc) =	sbr.abs _section_cstart, $3  }
0xc0: {  	[dreg:$0x1] =	wrdreg $0xFFFFFFFF  }
0xc1: {  	_ =	task.clear_ibuf [dreg:s7], $0x2FFFF;
	_ =	strace $0x9FFFFFFF  }
0xc2: {  	(tm) =	ssettm $0x7FFFFFFF  }
0xc3: {  	_ =	shalt  }
tec
execute0_lowered:
.L_overlay_start_1:
0x0: {  	(tag) =	ssettag $0x1  }
0x1: {  	s1 =	srdreg.scid  }
0x2: {  	s0 =	stileid.u32;
	s4 =	rddreg [dreg:$0x0]  }
0x3: {  	s6 =	rddreg [dreg:$0x1];
	s2 =	simm.s32 $0x0;
	s14 =	simm.s32 $0x1  }
0x4: {  	s15 =	simm.s32 $0x40;
	s16 =	simm.s32 $0x80;
	s17 =	simm.s32 $0x2  }
0x5: {  	s18 =	simm.s32 $0x3;
	s19 =	simm.s32 $0x4;
	s9 =	smul.u32 $0xC8000, s0  }
0x6: {  	s20 =	simm.s32 $0x0;
	s5 =	sand.u32 $0x1, s1;
	s13 =	smul.u32 $0x640000, s0  }
0x7: {  	s24 =	sshll.u32 s0, $0x1;
	s1 =	rddreg [dreg:$0x2];
	s11 =	smul.u32 $0x64000, s5  }
0x8: {  	[smem:$0x7FF] =	sst s2;
	s3 =	sor.u32 s5, s24;
	s28 =	smul.u32 $0x320000, s5  }
0x9: {  	s10 =	sadd.s32 $0x7A8400, s6;
	s25 =	ssub.s32 $0x2, s5;
	s7 =	smul.u32 $0xC80, s3  }
0xa: {  	_ =	strace $0x80000047;
	s8 =	smul.u32 $0x320000, s3;
	s12 =	sshrl.u32 s25, $0x1  }
0xb: {  	s3 =	sadd.s32 $0x400, s6;
	s29 =	sadd.s32 s9, s10;
	s12 =	ssub.s32 s25, s12  }
0xc: {  	s9 =	sadd.s32 s11, s29;
	s30 =	sadd.s32 s28, s13;
	s11 =	simm.s32 $0x200  }
0xd: {  	s13 =	simm.s32 $0xE400;
	s8 =	sshrl.u32 s8, $0x3;
	s4 =	sadd.s32 s4, s7  }
0xe: {  	s7 =	smax.u32 s12, $0x1;
	s31 =	sshrl.u32 s30, $0x3;
	s12 =	simm.s32 $0x6400  }
0xf: {  	s26 =	sadd.s32 s10, s8;
	s8 =	sadd.s32 $0x2000, s9;
	s9 =	sadd.s32 s31, s10  }
0x10: {  	s10 =	simm.s32 $0x5;
	s5 =	sadd.s32 $0x60000, s26;
	s6 =	sadd.s32 $0x62000, s26  }
.LBB2_1:
0x11: {  	[tilespmem:s2], [sflag:$0x5] =	stream.linear.gather [hbm4b:s4+s2], $0x6400, $0x38;
	[tilespmem:$0x16400] =	vst v63  }
0x12: {  	_ =	swait.ge [sflag:s10], $0x6400  }
0x13: {  	[sflag:s10] =	ssyncset.done $0x0  }
0x14: {  	[sflag:s10] =	ssyncadd.s32 $0xFFFF9C00  }
0x15: {  	[tilespmem:s12], [sflag:$0x1] =	stream.indirect.gather [hbm4b:s3+s11], $0x40, s2, s11, $0xb8;
	[tilespmem:$0x16400] =	vst v63  }
0x16: {  	_ = 	snop  }
0x17: {  	[tilespmem:s13], [sflag:$0x2] =	stream.indirect.gather [hbm4b:s3+s11], $0x40, s11, s11, $0xb8;
	[tilespmem:$0x16400] =	vst v63  }
0x18: {  	_ =	swait.ge [sflag:s14], $0x8000  }
0x19: {  	[sflag:s14] =	ssyncset.done $0x0  }
0x1a: {  	s21 =	sadd.s32 $0x0, s9;
	[sflag:s14] =	ssyncadd.s32 $0xFFFF8000  }
0x1b: {  	[hbm4b:s21+s15] =	stream.strided.scatter [tilespmem:s12], [sflag:$0x3], $0x8000, s16, s15, $0x38;
	[tilespmem:$0x16400] =	vst v63  }
0x1c: {  	_ =	swait.ge [sflag:s17], $0x8000  }
0x1d: {  	[sflag:s17] =	ssyncset.done $0x0  }
0x1e: {  	s30 =	sadd.s32 $0x0, s8;
	[sflag:s17] =	ssyncadd.s32 $0xFFFF8000  }
0x1f: {  	[hbm4b:s30+s15] =	stream.strided.scatter [tilespmem:s13], [sflag:$0x4], $0x8000, s16, s15, $0x38;
	[tilespmem:$0x16400] =	vst v63  }
0x20: {  	_ =	swait.ge [sflag:s18], $0x8000  }
0x21: {  	[sflag:s18] =	ssyncset.done $0x0  }
0x22: {  	s31 =	simm.s32 $0x400;
	[sflag:s18] =	ssyncadd.s32 $0xFFFF8000  }
0x23: {  	[tilespmem:s12], [sflag:$0x1] =	stream.indirect.gather [hbm4b:s3+s11], $0x40, s31, s11, $0xb8;
	[tilespmem:$0x16400] =	vst v63  }
0x24: {  	_ =	swait.ge [sflag:s19], $0x8000  }
0x25: {  	s22 =	simm.s32 $0x4000;
	[sflag:s19] =	ssyncset.done $0x0  }
0x26: {  	s23 =	simm.s32 $0xA00;
	s21 =	simm.s32 $0x600;
	[sflag:s19] =	ssyncadd.s32 $0xFFFF8000  }
.LBB2_2:
0x27: {  	[tilespmem:s13], [sflag:$0x2] =	stream.indirect.gather [hbm4b:s3+s11], $0x40, s21, s11, $0xb8;
	[tilespmem:$0x16400] =	vst v63  }
0x28: {  	s24 =	smov.u32 s22;
	s21 =	smov.u32 s23  }
0x29: {  	p0 =	sne.s32 s22, $0x5C000;
	s22 =	sadd.s32 $0x4000, s22;
	_ =	swait.ge [sflag:s14], $0x8000  }
0x2a: {  	[sflag:s14] =	ssyncset.done $0x0  }
0x2b: {  	s25 =	sadd.s32 s24, s9;
	[sflag:s14] =	ssyncadd.s32 $0xFFFF8000  }
0x2c: {  	[hbm4b:s25+s15] =	stream.strided.scatter [tilespmem:s12], [sflag:$0x3], $0x8000, s16, s15, $0x38;
	[tilespmem:$0x16400] =	vst v63  }
0x2d: {  	_ =	swait.ge [sflag:s17], $0x8000  }
0x2e: {  	[sflag:s17] =	ssyncset.done $0x0  }
0x2f: {  	s24 =	sadd.s32 s24, s8;
	[sflag:s17] =	ssyncadd.s32 $0xFFFF8000  }
0x30: {  	[hbm4b:s24+s15] =	stream.strided.scatter [tilespmem:s13], [sflag:$0x4], $0x8000, s16, s15, $0x38;
	[tilespmem:$0x16400] =	vst v63  }
0x31: {  	_ =	swait.ge [sflag:s18], $0x8000  }
0x32: {  	[sflag:s18] =	ssyncset.done $0x0  }
.Ltmp0:
0x33: {  	s24 =	sadd.s32 $0xFFFFFE00, s23;
	[sflag:s18] =	ssyncadd.s32 $0xFFFF8000;
	(pc) =	sbr.rel @p0 .LBB2_2-.Ltmp0, $4  }
0x34: {  	[tilespmem:s12], [sflag:$0x1] =	stream.indirect.gather [hbm4b:s3+s11], $0x40, s24, s11, $0xb8;
	[tilespmem:$0x16400] =	vst v63  }
0x35: {  	_ =	swait.ge [sflag:s19], $0x8000  }
0x36: {  	[sflag:s19] =	ssyncset.done $0x0  }
0x37: {  	s23 =	sadd.s32 $0x400, s23;
	[sflag:s19] =	ssyncadd.s32 $0xFFFF8000  }
0x38: {  	[tilespmem:s13], [sflag:$0x2] =	stream.indirect.gather [hbm4b:s3+s11], $0x40, s21, s11, $0xb8;
	[tilespmem:$0x16400] =	vst v63  }
0x39: {  	_ =	swait.ge [sflag:s14], $0x8000  }
0x3a: {  	[sflag:s14] =	ssyncset.done $0x0  }
0x3b: {  	[sflag:s14] =	ssyncadd.s32 $0xFFFF8000  }
0x3c: {  	[hbm4b:s5+s15] =	stream.strided.scatter [tilespmem:s12], [sflag:$0x3], $0x8000, s16, s15, $0x38;
	[tilespmem:$0x16400] =	vst v63  }
0x3d: {  	_ =	swait.ge [sflag:s17], $0x8000  }
0x3e: {  	[sflag:s17] =	ssyncset.done $0x0  }
0x3f: {  	s20 =	sadd.s32 $0x1, s20;
	[sflag:s17] =	ssyncadd.s32 $0xFFFF8000  }
0x40: {  	[hbm4b:s6+s15] =	stream.strided.scatter [tilespmem:s13], [sflag:$0x4], $0x8000, s16, s15, $0x38;
	[tilespmem:$0x16400] =	vst v63  }
0x41: {  	p0 =	sne.s32 s20, s7;
	_ =	swait.ge [sflag:s18], $0x8000  }
.Ltmp1:
0x42: {  	[sflag:s18] =	ssyncset.done $0x0;
	(pc) =	sbr.rel @p0 .LBB2_1-.Ltmp1, $4  }
0x43: {  	[sflag:s18] =	ssyncadd.s32 $0xFFFF8000  }
0x44: {  	_ =	swait.ge [sflag:s19], $0x8000  }
0x45: {  	[sflag:s19] =	ssyncset.done $0x0  }
0x46: {  	[sflag:s19] =	ssyncadd.s32 $0xFFFF8000  }
0x47: {  	_ =	sfence.sel $0x180000  }
0x48: {  	[bflag:$0x0] =	sbarrier.arrive $0xFFFF  }
0x49: {  	p0 =	sne.s32 s0, $0x0;
	_ =	strace $0x90000047  }
0x4a: {  	s0 =	sadd.s32 @!p0 $0x100000, s1;
	[bflag:$0x2] =	sbarrier.arrive $0xFFFF  }
0x4b: {  	[sflag:s0] =	ssyncadd.tile.s32 @!p0 $0x1;
	_ =	shalt  }
.Lfunc_end2:
_tile_overlayer_lowered:
.L_overlay_start_2:
0x4c: {  	(tag) =	ssettag $0x2  }
0x4d: {  	s0 =	rddreg [dreg:$0x0];
	s2 =	stileid.u32  }
0x4e: {  	s1 =	rddreg [dreg:$0x1];
	p0 =	sne.s32 s2, $0x0  }
0x4f: {  	s3 =	rddreg [dreg:$0x2];
	[bflag:$0x3] =	sbarrier.arrive $0xFFFF;
	s2 =	simm.s32 @!p0 $0x1C05  }
0x50: {  	[timem:s3], [sflag:s2] =	dma.local @!p0 [hbm:s0], s1  }
0x51: {  	s0 =	simm.s32 @!p0 $0x5  }
0x52: {  	_ =	swait.ge @!p0 [sflag:s0], s1  }
0x53: {  	s1 =	ssub.s32 @!p0 $0x0, s1;
	[sflag:s0] =	ssyncset.done @!p0 $0x0  }
0x54: {  	[sflag:s0] =	ssyncadd.s32 @!p0 s1  }
0x55: {  	[bflag:$0x3] =	sbarrier.arrive $0xFFFF  }
0x56: {  	_ =	shalt  }

</sc_bundles>
